<compile_context>
chip_gen: v7x
topology: tpu7x:2x2x1
jax: 0.10.2.dev20260603
libtpu: 0.0.44.dev20260713+nightly
codegen_flags: <defaults>
</compile_context>

<pallas_src>
import functools

import jax
import jax.numpy as jnp
from jax import lax
from jax.experimental import pallas as pl
from jax.experimental.pallas import tpu as pltpu
from jax.experimental.pallas import tpu_sc as plsc

_N = 10000
_E = 320000
_D = 128
_H = 2 * _D
_BN_EPS = 1e-5

_NC = 2
_NS = 16
_CHUNK = 128
_TILES = _NC * _NS
_CPT = -(-_E // (_TILES * _CHUNK))
_E_PAD = _TILES * _CPT * _CHUNK
_N_PAD = 10240
_RPT = _N_PAD // _NS

_sc_mesh = plsc.VectorSubcoreMesh(core_axis_name="c", subcore_axis_name="s")


@functools.partial(
    pl.kernel,
    mesh=_sc_mesh,
    out_type=jax.ShapeDtypeStruct((_NC, _N_PAD, _D), jnp.float32),
    scratch_types=[
        pltpu.VMEM((_CPT, _CHUNK), jnp.int32),
        pltpu.VMEM((_CPT, _CHUNK), jnp.int32),
        pltpu.VMEM((_CHUNK, _D), jnp.float32),
        pltpu.VMEM_SHARED((_N_PAD, _D), jnp.float32),
        pltpu.SemaphoreType.DMA,
    ],
)
def _sc_aggregate(x_hbm, src_hbm, dst_hbm, zero_hbm, out_hbm,
                  src_v, dst_v, rows_v, agg_sh, sem):
    c = lax.axis_index("c")
    s = lax.axis_index("s")
    tid = c * _NS + s

    pltpu.sync_copy(src_hbm.at[tid], src_v)
    pltpu.sync_copy(dst_hbm.at[tid], dst_v)

    pltpu.sync_copy(zero_hbm, agg_sh.at[pl.ds(s * _RPT, _RPT)])
    plsc.subcore_barrier()

    def body(j, carry):
        pltpu.async_copy(x_hbm.at[src_v.at[j]], rows_v, sem).wait()
        pltpu.sync_copy(rows_v, agg_sh.at[dst_v.at[j]], add=True)
        return carry

    lax.fori_loop(0, _CPT, body, 0)

    plsc.subcore_barrier()
    pltpu.sync_copy(agg_sh.at[pl.ds(s * _RPT, _RPT)],
                    out_hbm.at[c, pl.ds(s * _RPT, _RPT)])


_BLK = 1000


def _mlp1_body(eps_ref, x_ref, agg_ref, w1_ref, b1_ref, h1_ref, stats_ref):
    i = pl.program_id(0)
    h0 = (1.0 + eps_ref[0]) * x_ref[...] + agg_ref[0] + agg_ref[1]
    h1 = jnp.dot(h0, w1_ref[...], preferred_element_type=jnp.float32) + b1_ref[...]
    h1_ref[...] = h1

    @pl.when(i == 0)
    def _():
        stats_ref[...] = jnp.zeros_like(stats_ref)

    s0 = jnp.sum(h1, axis=0, keepdims=True)
    s1 = jnp.sum(h1 * h1, axis=0, keepdims=True)
    stats_ref[...] += jnp.concatenate(
        [s0, s1, jnp.zeros((6, _H), jnp.float32)], axis=0)


def _mlp2_body(h1_ref, stats_ref, gamma_ref, beta_ref, w2_ref, b2_ref, out_ref):
    mean = stats_ref[0:1, :] * (1.0 / _N)
    ex2 = stats_ref[1:2, :] * (1.0 / _N)
    var = ex2 - mean * mean
    rstd = lax.rsqrt(var + _BN_EPS)
    scale = gamma_ref[...] * rstd
    shift = beta_ref[...] - mean * scale
    h = jnp.maximum(h1_ref[...] * scale + shift, 0.0)
    out_ref[...] = jnp.dot(h, w2_ref[...],
                           preferred_element_type=jnp.float32) + b2_ref[...]


def kernel(x, edge_index, eps, W1, b1, gamma, beta, W2, b2):
    src = edge_index[0].astype(jnp.int32)
    dst = edge_index[1].astype(jnp.int32)
    pad = _E_PAD - _E
    src_p = jnp.concatenate([src, jnp.full((pad,), _N, jnp.int32)])
    dst_p = jnp.concatenate([dst, jnp.zeros((pad,), jnp.int32)])
    src_p = src_p.reshape(_TILES, _CPT, _CHUNK)
    dst_p = dst_p.reshape(_TILES, _CPT, _CHUNK)
    x_pad = jnp.concatenate([x, jnp.zeros((8, _D), jnp.float32)], axis=0)
    zero = jnp.zeros((_RPT, _D), jnp.float32)

    agg2 = _sc_aggregate(x_pad, src_p, dst_p, zero)

    eps1 = jnp.reshape(eps, (1,)).astype(jnp.float32)
    h1, stats = pl.pallas_call(
        _mlp1_body,
        grid=(_N // _BLK,),
        in_specs=[
            pl.BlockSpec(memory_space=pltpu.SMEM),
            pl.BlockSpec((_BLK, _D), lambda i: (i, 0)),
            pl.BlockSpec((_NC, _BLK, _D), lambda i: (0, i, 0)),
            pl.BlockSpec((_D, _H), lambda i: (0, 0)),
            pl.BlockSpec((1, _H), lambda i: (0, 0)),
        ],
        out_specs=[
            pl.BlockSpec((_BLK, _H), lambda i: (i, 0)),
            pl.BlockSpec((8, _H), lambda i: (0, 0)),
        ],
        out_shape=[
            jax.ShapeDtypeStruct((_N, _H), jnp.float32),
            jax.ShapeDtypeStruct((8, _H), jnp.float32),
        ],
    )(eps1, x, agg2, W1, b1.reshape(1, _H))

    out = pl.pallas_call(
        _mlp2_body,
        grid=(_N // _BLK,),
        in_specs=[
            pl.BlockSpec((_BLK, _H), lambda i: (i, 0)),
            pl.BlockSpec((8, _H), lambda i: (0, 0)),
            pl.BlockSpec((1, _H), lambda i: (0, 0)),
            pl.BlockSpec((1, _H), lambda i: (0, 0)),
            pl.BlockSpec((_H, _D), lambda i: (0, 0)),
            pl.BlockSpec((1, _D), lambda i: (0, 0)),
        ],
        out_specs=pl.BlockSpec((_BLK, _D), lambda i: (i, 0)),
        out_shape=jax.ShapeDtypeStruct((_N, _D), jnp.float32),
    )(h1, stats, gamma.reshape(1, _H), beta.reshape(1, _H),
      W2, b2.reshape(1, _D))

    return out

# --- scband reference (transcript-rebuilt; emitter-appended) ---
"""Pipeline reference for scband-ginblock-19576460935444 (READ-ONLY COPY).

The authoritative reference and input builder live on the scoring server;
editing this copy changes nothing except your own understanding.
"""

import jax, jax.numpy as jnp
import numpy as np

N = 10000
E = 320000
D = 128
H = 2 * D
BN_EPS = 1e-5


def setup_inputs(seed: int = 0) -> dict:
    key = jax.random.key(seed)
    k_x, k_ei, k_w1, k_b1, k_g, k_bt, k_w2, k_b2 = jax.random.split(key, 8)
    x = jax.random.normal(k_x, (N, D), dtype=jnp.float32)
    edge_index = jax.random.randint(k_ei, (2, E), 0, N, dtype=jnp.int64)
    # learned params of GINConv MLP: Linear(D, 2D) -> BatchNorm1d(2D) -> ReLU -> Dropout -> Linear(2D, D)
    W1 = jax.random.normal(k_w1, (D, H), dtype=jnp.float32) * (1.0 / np.sqrt(D))
    b1 = jnp.zeros((H,), dtype=jnp.float32)
    gamma = jnp.ones((H,), dtype=jnp.float32)
    beta = jnp.zeros((H,), dtype=jnp.float32)
    W2 = jax.random.normal(k_w2, (H, D), dtype=jnp.float32) * (1.0 / np.sqrt(H))
    b2 = jnp.zeros((D,), dtype=jnp.float32)
    eps = jnp.float32(0.0)  # trainable epsilon (train_eps=True), init 0.0
    return {"x": x, "edge_index": edge_index, "eps": eps, "W1": W1, "b1": b1,
            "gamma": gamma, "beta": beta, "W2": W2, "b2": b2}


def reference(x, edge_index, eps, W1, b1, gamma, beta, W2, b2):
    # GIN aggregation: h_v = (1 + eps) * x_v + sum_{u in N(v)} x_u
    src = edge_index[0]
    dst = edge_index[1]
    msgs = jnp.take(x, src, axis=0)                       # gather: [E, D]
    agg = jax.ops.segment_sum(msgs, dst, num_segments=N)  # scatter-add: [N, D]
    h = (1.0 + eps) * x + agg
    # MLP: Linear -> BatchNorm1d (training-mode batch stats) -> ReLU -> Dropout(identity) -> Linear
    h = h @ W1 + b1
    mean = jnp.mean(h, axis=0)
    var = jnp.mean((h - mean) ** 2, axis=0)  # biased variance, as torch BN uses for normalization
    h = (h - mean) / jnp.sqrt(var + BN_EPS) * gamma + beta
    h = jax.nn.relu(h)
    out = h @ W2 + b2
    # outer Dropout is identity in deterministic/eval reference
    return out

if __name__ == "__main__":
    import jax
    _d = setup_inputs()
    print(jax.jit(kernel)(*tuple(_d.values())))

</pallas_src>

<mosaic_0001>
#map = affine_map<(d0, d1) -> (0, 0)>
#map1 = affine_map<(d0, d1) -> (0, 0, 0)>
module attributes {stable_mosaic.version = 14 : i64} {
  func.func @_sc_aggregate(%arg0: i32, %arg1: i32, %arg2: memref<10008x128xf32, #tpu.memory_space<hbm>>, %arg3: memref<32x79x128xi32, #tpu.memory_space<hbm>>, %arg4: memref<32x79x128xi32, #tpu.memory_space<hbm>>, %arg5: memref<640x128xf32, #tpu.memory_space<hbm>>, %arg6: memref<2x10240x128xf32, #tpu.memory_space<hbm>>, %arg7: memref<79x128xi32, #tpu.memory_space<vmem>>, %arg8: memref<79x128xi32, #tpu.memory_space<vmem>>, %arg9: memref<128x128xf32, #tpu.memory_space<vmem>>, %arg10: memref<10240x128xf32, #tpu.memory_space<vmem_shared>>, %arg11: memref<!tpu.dma_semaphore, #tpu.memory_space<semaphore_mem>>) attributes {dimension_semantics = [#tpu.dimension_semantics<core_parallel>, #tpu.dimension_semantics<subcore_parallel>], iteration_bounds = array<i64: 2, 16>, scalar_prefetch = 0 : i64, scratch_operands = 5 : i64, tpu.core_type = #tpu.core_type<sc_vector_subcore>, window_params = [{transform_indices = #map}, {transform_indices = #map1}, {transform_indices = #map1}, {transform_indices = #map}, {transform_indices = #map1}]} {
    %mul3A = arith.constant 16 : i32
    %mul3A_0 = arith.muli %arg0, %mul3A : i32
    %add3A = arith.addi %mul3A_0, %arg1 : i32
    "tpu.region"() ({
      %run_scoped3A = tpu.sem_alloc : memref<!tpu.dma_semaphore, #tpu.memory_space<semaphore_mem>>
      %dma_start3A = arith.constant 0 : i32
      %dma_start3A_13 = arith.constant 0 : i32
      %dma_start3A_14 = tpu.memref_slice %arg3[%add3A, %dma_start3A, %dma_start3A_13] : memref<32x79x128xi32, #tpu.memory_space<hbm>> -> memref<1x79x128xi32, #tpu.memory_space<hbm>>
      %dma_start3A_15 = tpu.memref_squeeze %dma_start3A_14 : memref<1x79x128xi32, #tpu.memory_space<hbm>> -> memref<79x128xi32, #tpu.memory_space<hbm>>
      %dma_start3A_16 = arith.constant 0 : i32
      %dma_start3A_17 = arith.constant 0 : i32
      %dma_start3A_18 = tpu.memref_slice %arg3[%add3A, %dma_start3A_16, %dma_start3A_17] : memref<32x79x128xi32, #tpu.memory_space<hbm>> -> memref<1x79x128xi32, #tpu.memory_space<hbm>>
      %dma_start3A_19 = tpu.memref_squeeze %dma_start3A_18 : memref<1x79x128xi32, #tpu.memory_space<hbm>> -> memref<79x128xi32, #tpu.memory_space<hbm>>
      tpu.enqueue_dma source(%dma_start3A_19 : memref<79x128xi32, #tpu.memory_space<hbm>>) target(%arg7 : memref<79x128xi32, #tpu.memory_space<vmem>>) target_semaphore(%run_scoped3A : memref<!tpu.dma_semaphore, #tpu.memory_space<semaphore_mem>>)
      %dma_wait3A = arith.constant 0 : i32
      %dma_wait3A_20 = arith.constant 0 : i32
      %dma_wait3A_21 = tpu.memref_slice %arg3[%add3A, %dma_wait3A, %dma_wait3A_20] : memref<32x79x128xi32, #tpu.memory_space<hbm>> -> memref<1x79x128xi32, #tpu.memory_space<hbm>>
      %dma_wait3A_22 = tpu.memref_squeeze %dma_wait3A_21 : memref<1x79x128xi32, #tpu.memory_space<hbm>> -> memref<79x128xi32, #tpu.memory_space<hbm>>
      %dma_wait3A_23 = arith.constant 0 : i32
      %dma_wait3A_24 = arith.constant 0 : i32
      %dma_wait3A_25 = tpu.memref_slice %arg3[%add3A, %dma_wait3A_23, %dma_wait3A_24] : memref<32x79x128xi32, #tpu.memory_space<hbm>> -> memref<1x79x128xi32, #tpu.memory_space<hbm>>
      %dma_wait3A_26 = tpu.memref_squeeze %dma_wait3A_25 : memref<1x79x128xi32, #tpu.memory_space<hbm>> -> memref<79x128xi32, #tpu.memory_space<hbm>>
      tpu.wait_dma2 semaphore(%run_scoped3A : memref<!tpu.dma_semaphore, #tpu.memory_space<semaphore_mem>>) src(%dma_wait3A_26 : memref<79x128xi32, #tpu.memory_space<hbm>>) dst(%arg7 : memref<79x128xi32, #tpu.memory_space<vmem>>)
      tpu.yield
    }) : () -> ()
    "tpu.region"() ({
      %run_scoped3A = tpu.sem_alloc : memref<!tpu.dma_semaphore, #tpu.memory_space<semaphore_mem>>
      %dma_start3A = arith.constant 0 : i32
      %dma_start3A_13 = arith.constant 0 : i32
      %dma_start3A_14 = tpu.memref_slice %arg4[%add3A, %dma_start3A, %dma_start3A_13] : memref<32x79x128xi32, #tpu.memory_space<hbm>> -> memref<1x79x128xi32, #tpu.memory_space<hbm>>
      %dma_start3A_15 = tpu.memref_squeeze %dma_start3A_14 : memref<1x79x128xi32, #tpu.memory_space<hbm>> -> memref<79x128xi32, #tpu.memory_space<hbm>>
      %dma_start3A_16 = arith.constant 0 : i32
      %dma_start3A_17 = arith.constant 0 : i32
      %dma_start3A_18 = tpu.memref_slice %arg4[%add3A, %dma_start3A_16, %dma_start3A_17] : memref<32x79x128xi32, #tpu.memory_space<hbm>> -> memref<1x79x128xi32, #tpu.memory_space<hbm>>
      %dma_start3A_19 = tpu.memref_squeeze %dma_start3A_18 : memref<1x79x128xi32, #tpu.memory_space<hbm>> -> memref<79x128xi32, #tpu.memory_space<hbm>>
      tpu.enqueue_dma source(%dma_start3A_19 : memref<79x128xi32, #tpu.memory_space<hbm>>) target(%arg8 : memref<79x128xi32, #tpu.memory_space<vmem>>) target_semaphore(%run_scoped3A : memref<!tpu.dma_semaphore, #tpu.memory_space<semaphore_mem>>)
      %dma_wait3A = arith.constant 0 : i32
      %dma_wait3A_20 = arith.constant 0 : i32
      %dma_wait3A_21 = tpu.memref_slice %arg4[%add3A, %dma_wait3A, %dma_wait3A_20] : memref<32x79x128xi32, #tpu.memory_space<hbm>> -> memref<1x79x128xi32, #tpu.memory_space<hbm>>
      %dma_wait3A_22 = tpu.memref_squeeze %dma_wait3A_21 : memref<1x79x128xi32, #tpu.memory_space<hbm>> -> memref<79x128xi32, #tpu.memory_space<hbm>>
      %dma_wait3A_23 = arith.constant 0 : i32
      %dma_wait3A_24 = arith.constant 0 : i32
      %dma_wait3A_25 = tpu.memref_slice %arg4[%add3A, %dma_wait3A_23, %dma_wait3A_24] : memref<32x79x128xi32, #tpu.memory_space<hbm>> -> memref<1x79x128xi32, #tpu.memory_space<hbm>>
      %dma_wait3A_26 = tpu.memref_squeeze %dma_wait3A_25 : memref<1x79x128xi32, #tpu.memory_space<hbm>> -> memref<79x128xi32, #tpu.memory_space<hbm>>
      tpu.wait_dma2 semaphore(%run_scoped3A : memref<!tpu.dma_semaphore, #tpu.memory_space<semaphore_mem>>) src(%dma_wait3A_26 : memref<79x128xi32, #tpu.memory_space<hbm>>) dst(%arg8 : memref<79x128xi32, #tpu.memory_space<vmem>>)
      tpu.yield
    }) : () -> ()
    %mul3A_1 = arith.constant 640 : i32
    %mul3A_2 = arith.muli %arg1, %mul3A_1 : i32
    "tpu.region"() ({
      %run_scoped3A = tpu.sem_alloc : memref<!tpu.dma_semaphore, #tpu.memory_space<semaphore_mem>>
      %dma_start3A = arith.constant 0 : i32
      %dma_start3A_13 = tpu.memref_slice %arg10[%mul3A_2, %dma_start3A] : memref<10240x128xf32, #tpu.memory_space<vmem_shared>> -> memref<640x128xf32, #tpu.memory_space<vmem_shared>>
      tpu.enqueue_dma source(%arg5 : memref<640x128xf32, #tpu.memory_space<hbm>>) target(%dma_start3A_13 : memref<640x128xf32, #tpu.memory_space<vmem_shared>>) target_semaphore(%run_scoped3A : memref<!tpu.dma_semaphore, #tpu.memory_space<semaphore_mem>>)
      %dma_wait3A = arith.constant 0 : i32
      %dma_wait3A_14 = tpu.memref_slice %arg10[%mul3A_2, %dma_wait3A] : memref<10240x128xf32, #tpu.memory_space<vmem_shared>> -> memref<640x128xf32, #tpu.memory_space<vmem_shared>>
      tpu.wait_dma2 semaphore(%run_scoped3A : memref<!tpu.dma_semaphore, #tpu.memory_space<semaphore_mem>>) src(%arg5 : memref<640x128xf32, #tpu.memory_space<hbm>>) dst(%dma_wait3A_14 : memref<640x128xf32, #tpu.memory_space<vmem_shared>>)
      tpu.yield
    }) : () -> ()
    %barrier3A = arith.constant 0 : index
    tpu.barrier barrier_id(%barrier3A)
    %scan3A = arith.constant 0 : i32
    %scan3A_3 = arith.constant 0 : i32
    %scan3A_4 = arith.constant 79 : i32
    %scan3A_5 = arith.addi %scan3A_3, %scan3A_4 : i32
    %scan3A_6 = arith.constant 1 : i32
    scf.for %scan3A_13 = %scan3A_3 to %scan3A_5 step %scan3A_6  : i32 {
      %dma_start3A = arith.constant 0 : i32
      %dma_start3A_14 = tpu.memref_slice %arg7[%scan3A_13, %dma_start3A] : memref<79x128xi32, #tpu.memory_space<vmem>> -> memref<1x128xi32, #tpu.memory_space<vmem>>
      %dma_start3A_15 = tpu.memref_squeeze %dma_start3A_14 : memref<1x128xi32, #tpu.memory_space<vmem>> -> memref<128xi32, #tpu.memory_space<vmem>>
      %dma_start3A_16 = arith.constant 0 : i32
      %dma_start3A_17 = arith.constant 0 : i32
      %dma_start3A_18 = tpu.memref_slice %arg2[%dma_start3A_16, %dma_start3A_17] : memref<10008x128xf32, #tpu.memory_space<hbm>> -> memref<10008x128xf32, #tpu.memory_space<hbm>>
      tpu.enqueue_indirect_dma source(%dma_start3A_18 : memref<10008x128xf32, #tpu.memory_space<hbm>>) target(%arg9 : memref<128x128xf32, #tpu.memory_space<vmem>>) offsets(%dma_start3A_15 : memref<128xi32, #tpu.memory_space<vmem>>) semaphore(%arg11 : memref<!tpu.dma_semaphore, #tpu.memory_space<semaphore_mem>>)
      %dma_wait3A = arith.constant 0 : i32
      %dma_wait3A_19 = tpu.memref_slice %arg7[%scan3A_13, %dma_wait3A] : memref<79x128xi32, #tpu.memory_space<vmem>> -> memref<1x128xi32, #tpu.memory_space<vmem>>
      %dma_wait3A_20 = tpu.memref_squeeze %dma_wait3A_19 : memref<1x128xi32, #tpu.memory_space<vmem>> -> memref<128xi32, #tpu.memory_space<vmem>>
      %dma_wait3A_21 = arith.constant 0 : i32
      %dma_wait3A_22 = arith.constant 0 : i32
      %dma_wait3A_23 = tpu.memref_slice %arg2[%dma_wait3A_21, %dma_wait3A_22] : memref<10008x128xf32, #tpu.memory_space<hbm>> -> memref<10008x128xf32, #tpu.memory_space<hbm>>
      tpu.wait_indirect_dma semaphore(%arg11 : memref<!tpu.dma_semaphore, #tpu.memory_space<semaphore_mem>>) src(%dma_wait3A_23 : memref<10008x128xf32, #tpu.memory_space<hbm>>) dst(%arg9 : memref<128x128xf32, #tpu.memory_space<vmem>>)
      "tpu.region"() ({
        %run_scoped3A = tpu.sem_alloc : memref<!tpu.dma_semaphore, #tpu.memory_space<semaphore_mem>>
        %dma_start3A_24 = arith.constant 0 : i32
        %dma_start3A_25 = tpu.memref_slice %arg8[%scan3A_13, %dma_start3A_24] : memref<79x128xi32, #tpu.memory_space<vmem>> -> memref<1x128xi32, #tpu.memory_space<vmem>>
        %dma_start3A_26 = tpu.memref_squeeze %dma_start3A_25 : memref<1x128xi32, #tpu.memory_space<vmem>> -> memref<128xi32, #tpu.memory_space<vmem>>
        %dma_start3A_27 = arith.constant 0 : i32
        %dma_start3A_28 = arith.constant 0 : i32
        %dma_start3A_29 = tpu.memref_slice %arg10[%dma_start3A_27, %dma_start3A_28] : memref<10240x128xf32, #tpu.memory_space<vmem_shared>> -> memref<10240x128xf32, #tpu.memory_space<vmem_shared>>
        tpu.enqueue_indirect_dma source(%arg9 : memref<128x128xf32, #tpu.memory_space<vmem>>) target(%dma_start3A_29 : memref<10240x128xf32, #tpu.memory_space<vmem_shared>>) offsets(%dma_start3A_26 : memref<128xi32, #tpu.memory_space<vmem>>) semaphore(%run_scoped3A : memref<!tpu.dma_semaphore, #tpu.memory_space<semaphore_mem>>) {add = true}
        %dma_wait3A_30 = arith.constant 0 : i32
        %dma_wait3A_31 = tpu.memref_slice %arg8[%scan3A_13, %dma_wait3A_30] : memref<79x128xi32, #tpu.memory_space<vmem>> -> memref<1x128xi32, #tpu.memory_space<vmem>>
        %dma_wait3A_32 = tpu.memref_squeeze %dma_wait3A_31 : memref<1x128xi32, #tpu.memory_space<vmem>> -> memref<128xi32, #tpu.memory_space<vmem>>
        %dma_wait3A_33 = arith.constant 0 : i32
        %dma_wait3A_34 = arith.constant 0 : i32
        %dma_wait3A_35 = tpu.memref_slice %arg10[%dma_wait3A_33, %dma_wait3A_34] : memref<10240x128xf32, #tpu.memory_space<vmem_shared>> -> memref<10240x128xf32, #tpu.memory_space<vmem_shared>>
        tpu.wait_indirect_dma semaphore(%run_scoped3A : memref<!tpu.dma_semaphore, #tpu.memory_space<semaphore_mem>>) src(%arg9 : memref<128x128xf32, #tpu.memory_space<vmem>>) dst(%dma_wait3A_35 : memref<10240x128xf32, #tpu.memory_space<vmem_shared>>)
        tpu.yield
      }) : () -> ()
    }
    %scan3A_7 = arith.constant 79 : i32
    %barrier3A_8 = arith.constant 0 : index
    tpu.barrier barrier_id(%barrier3A_8)
    %mul3A_9 = arith.constant 640 : i32
    %mul3A_10 = arith.muli %arg1, %mul3A_9 : i32
    %mul3A_11 = arith.constant 640 : i32
    %mul3A_12 = arith.muli %arg1, %mul3A_11 : i32
    "tpu.region"() ({
      %run_scoped3A = tpu.sem_alloc : memref<!tpu.dma_semaphore, #tpu.memory_space<semaphore_mem>>
      %dma_start3A = arith.constant 0 : i32
      %dma_start3A_13 = tpu.memref_slice %arg6[%arg0, %mul3A_12, %dma_start3A] : memref<2x10240x128xf32, #tpu.memory_space<hbm>> -> memref<1x640x128xf32, #tpu.memory_space<hbm>>
      %dma_start3A_14 = tpu.memref_squeeze %dma_start3A_13 : memref<1x640x128xf32, #tpu.memory_space<hbm>> -> memref<640x128xf32, #tpu.memory_space<hbm>>
      %dma_start3A_15 = arith.constant 0 : i32
      %dma_start3A_16 = tpu.memref_slice %arg10[%mul3A_10, %dma_start3A_15] : memref<10240x128xf32, #tpu.memory_space<vmem_shared>> -> memref<640x128xf32, #tpu.memory_space<vmem_shared>>
      tpu.enqueue_dma source(%dma_start3A_16 : memref<640x128xf32, #tpu.memory_space<vmem_shared>>) target(%dma_start3A_14 : memref<640x128xf32, #tpu.memory_space<hbm>>) target_semaphore(%run_scoped3A : memref<!tpu.dma_semaphore, #tpu.memory_space<semaphore_mem>>)
      %dma_wait3A = arith.constant 0 : i32
      %dma_wait3A_17 = tpu.memref_slice %arg6[%arg0, %mul3A_12, %dma_wait3A] : memref<2x10240x128xf32, #tpu.memory_space<hbm>> -> memref<1x640x128xf32, #tpu.memory_space<hbm>>
      %dma_wait3A_18 = tpu.memref_squeeze %dma_wait3A_17 : memref<1x640x128xf32, #tpu.memory_space<hbm>> -> memref<640x128xf32, #tpu.memory_space<hbm>>
      %dma_wait3A_19 = arith.constant 0 : i32
      %dma_wait3A_20 = tpu.memref_slice %arg10[%mul3A_10, %dma_wait3A_19] : memref<10240x128xf32, #tpu.memory_space<vmem_shared>> -> memref<640x128xf32, #tpu.memory_space<vmem_shared>>
      tpu.wait_dma2 semaphore(%run_scoped3A : memref<!tpu.dma_semaphore, #tpu.memory_space<semaphore_mem>>) src(%dma_wait3A_20 : memref<640x128xf32, #tpu.memory_space<vmem_shared>>) dst(%dma_wait3A_18 : memref<640x128xf32, #tpu.memory_space<hbm>>)
      tpu.yield
    }) : () -> ()
    return
  }
}

module attributes {stable_mosaic.version = 14 : i64} {
  func.func @_mlp1_body(%arg0: i32, %arg1: memref<1xf32, #tpu.memory_space<smem>>, %arg2: memref<1000x128xf32, #tpu.memory_space<vmem>>, %arg3: memref<2x1000x128xf32, #tpu.memory_space<vmem>>, %arg4: memref<128x256xf32, #tpu.memory_space<vmem>>, %arg5: memref<1x256xf32, #tpu.memory_space<vmem>>, %arg6: memref<1000x256xf32, #tpu.memory_space<vmem>>, %arg7: memref<8x256xf32, #tpu.memory_space<vmem>>) attributes {dimension_semantics = [#tpu.dimension_semantics<arbitrary>], iteration_bounds = array<i64: 10>, scalar_prefetch = 0 : i64, scratch_operands = 0 : i64, tpu.core_type = #tpu.core_type<tc>, window_params = [{transform_indices = @transform_0, window_bounds = array<i64: 1>}, {transform_indices = @transform_1, window_bounds = array<i64: 1000, 128>}, {transform_indices = @transform_2, window_bounds = array<i64: 2, 1000, 128>}, {pipeline_mode = #tpu.pipeline_mode<synchronous>, transform_indices = @transform_3, window_bounds = array<i64: 128, 256>}, {pipeline_mode = #tpu.pipeline_mode<synchronous>, transform_indices = @transform_4, window_bounds = array<i64: 1, 256>}, {transform_indices = @transform_5, window_bounds = array<i64: 1000, 256>}, {pipeline_mode = #tpu.pipeline_mode<synchronous>, transform_indices = @transform_6, window_bounds = array<i64: 8, 256>}]} {
    %get3A = arith.constant 0 : index
    %get3A_0 = memref.load %arg1[%get3A] : memref<1xf32, #tpu.memory_space<smem>>
    %add3A = arith.constant 1.000000e+00 : f32
    %add3A_1 = arith.addf %add3A, %get3A_0 : f32
    %get3A_2 = arith.constant 0 : index
    %get3A_3 = arith.constant 0 : index
    %get3A_4 = vector.load %arg2[%get3A_2, %get3A_3] : memref<1000x128xf32, #tpu.memory_space<vmem>>, vector<1000x128xf32>
    %mul3A = vector.broadcast %add3A_1 : f32 to vector<1000x128xf32>
    %mul3A_5 = arith.mulf %mul3A, %get3A_4 : vector<1000x128xf32>
    %get3A_6 = arith.constant 0 : index
    %get3A_7 = arith.constant 0 : index
    %get3A_8 = arith.constant 0 : index
    %get3A_9 = vector.load %arg3[%get3A_6, %get3A_7, %get3A_8] : memref<2x1000x128xf32, #tpu.memory_space<vmem>>, vector<1x1000x128xf32>
    %get3A_10 = vector.shape_cast %get3A_9 : vector<1x1000x128xf32> to vector<1000x128xf32>
    %add3A_11 = arith.addf %mul3A_5, %get3A_10 : vector<1000x128xf32>
    %get3A_12 = arith.constant 1 : index
    %get3A_13 = arith.constant 0 : index
    %get3A_14 = arith.constant 0 : index
    %get3A_15 = vector.load %arg3[%get3A_12, %get3A_13, %get3A_14] : memref<2x1000x128xf32, #tpu.memory_space<vmem>>, vector<1x1000x128xf32>
    %get3A_16 = vector.shape_cast %get3A_15 : vector<1x1000x128xf32> to vector<1000x128xf32>
    %add3A_17 = arith.addf %add3A_11, %get3A_16 : vector<1000x128xf32>
    %get3A_18 = arith.constant 0 : index
    %get3A_19 = arith.constant 0 : index
    %get3A_20 = vector.load %arg4[%get3A_18, %get3A_19] : memref<128x256xf32, #tpu.memory_space<vmem>>, vector<128x256xf32>
    %dot_general3A = arith.constant dense<0.000000e+00> : vector<1000x256xf32>
    %dot_general3A_21 = tpu.matmul %add3A_17, %get3A_20, %dot_general3A {dimension_numbers = #tpu.dot_dimension_numbers<[1], [0], [0], [1], [0, 0, 1, 1], [], []>, transpose_lhs_hint = false} : vector<1000x128xf32>, vector<128x256xf32>, vector<1000x256xf32> -> vector<1000x256xf32>
    %get3A_22 = arith.constant 0 : index
    %get3A_23 = arith.constant 0 : index
    %get3A_24 = vector.load %arg5[%get3A_22, %get3A_23] : memref<1x256xf32, #tpu.memory_space<vmem>>, vector<1x256xf32>
    %add3A_25 = vector.broadcast %get3A_24 : vector<1x256xf32> to vector<1000x256xf32>
    %add3A_26 = arith.addf %dot_general3A_21, %add3A_25 : vector<1000x256xf32>
    %swap3A = arith.constant 0 : index
    %swap3A_27 = arith.constant 0 : index
    %swap3A_28 = vector.load %arg6[%swap3A, %swap3A_27] : memref<1000x256xf32, #tpu.memory_space<vmem>>, vector<1000x256xf32>
    tpu.vector_store %arg6[%swap3A, %swap3A_27], %add3A_26 {strides = array<i32>} : memref<1000x256xf32, #tpu.memory_space<vmem>>, vector<1000x256xf32>,
    %eq3A = arith.constant 0 : i32
    %eq3A_29 = arith.cmpi eq, %arg0, %eq3A : i32
    %convert_element_type3A = arith.extui %eq3A_29 : i1 to i32
    %cond3A = arith.constant 0 : i32
    %cond3A_30 = arith.cmpi ne, %convert_element_type3A, %cond3A : i32
    scf.if %cond3A_30 {
      %broadcast_in_dim3A_45 = arith.constant 0.000000e+00 : f32
      %broadcast_in_dim3A_46 = vector.broadcast %broadcast_in_dim3A_45 : f32 to vector<8x256xf32>
      %swap3A_47 = arith.constant 0 : index
      %swap3A_48 = arith.constant 0 : index
      %swap3A_49 = vector.load %arg7[%swap3A_47, %swap3A_48] : memref<8x256xf32, #tpu.memory_space<vmem>>, vector<8x256xf32>
      tpu.vector_store %arg7[%swap3A_47, %swap3A_48], %broadcast_in_dim3A_46 {strides = array<i32>} : memref<8x256xf32, #tpu.memory_space<vmem>>, vector<8x256xf32>,
    } else {
    }
    %reduce_sum3A = arith.constant dense<0.000000e+00> : vector<256xf32>
    %reduce_sum3A_31 = vector.multi_reduction <add>, %add3A_26, %reduce_sum3A [0] : vector<1000x256xf32> to vector<256xf32>
    %broadcast_in_dim3A = vector.shape_cast %reduce_sum3A_31 : vector<256xf32> to vector<1x256xf32>
    %mul3A_32 = arith.mulf %add3A_26, %add3A_26 : vector<1000x256xf32>
    %reduce_sum3A_33 = arith.constant dense<0.000000e+00> : vector<256xf32>
    %reduce_sum3A_34 = vector.multi_reduction <add>, %mul3A_32, %reduce_sum3A_33 [0] : vector<1000x256xf32> to vector<256xf32>
    %broadcast_in_dim3A_35 = vector.shape_cast %reduce_sum3A_34 : vector<256xf32> to vector<1x256xf32>
    %get3A_36 = arith.constant 0 : index
    %get3A_37 = arith.constant 0 : index
    %get3A_38 = vector.load %arg7[%get3A_36, %get3A_37] : memref<8x256xf32, #tpu.memory_space<vmem>>, vector<8x256xf32>
    %broadcast_in_dim3A_39 = arith.constant 0.000000e+00 : f32
    %broadcast_in_dim3A_40 = vector.broadcast %broadcast_in_dim3A_39 : f32 to vector<6x256xf32>
    %concatenate3A = tpu.concatenate %broadcast_in_dim3A, %broadcast_in_dim3A_35, %broadcast_in_dim3A_40 in 0 : vector<1x256xf32>, vector<1x256xf32>, vector<6x256xf32> -> vector<8x256xf32>
    %add3A_41 = arith.addf %get3A_38, %concatenate3A : vector<8x256xf32>
    %swap3A_42 = arith.constant 0 : index
    %swap3A_43 = arith.constant 0 : index
    %swap3A_44 = vector.load %arg7[%swap3A_42, %swap3A_43] : memref<8x256xf32, #tpu.memory_space<vmem>>, vector<8x256xf32>
    tpu.vector_store %arg7[%swap3A_42, %swap3A_43], %add3A_41 {strides = array<i32>} : memref<8x256xf32, #tpu.memory_space<vmem>>, vector<8x256xf32>,
    return
  }
  func.func @transform_0(%arg0: i32) -> i32 {
    %c0_i32 = arith.constant 0 : i32
    %c0_i32_0 = arith.constant 0 : i32
    return %c0_i32 : i32
  }
  func.func @transform_1(%arg0: i32) -> (i32, i32) {
    %c0_i32 = arith.constant 0 : i32
    %c0_i32_0 = arith.constant 0 : i32
    return %arg0, %c0_i32 : i32, i32
  }
  func.func @transform_2(%arg0: i32) -> (i32, i32, i32) {
    %c0_i32 = arith.constant 0 : i32
    %c0_i32_0 = arith.constant 0 : i32
    %c0_i32_1 = arith.constant 0 : i32
    return %c0_i32, %arg0, %c0_i32_0 : i32, i32, i32
  }
  func.func @transform_3(%arg0: i32) -> (i32, i32) {
    %c0_i32 = arith.constant 0 : i32
    %c0_i32_0 = arith.constant 0 : i32
    %c0_i32_1 = arith.constant 0 : i32
    return %c0_i32, %c0_i32_0 : i32, i32
  }
  func.func @transform_4(%arg0: i32) -> (i32, i32) {
    %c0_i32 = arith.constant 0 : i32
    %c0_i32_0 = arith.constant 0 : i32
    %c0_i32_1 = arith.constant 0 : i32
    return %c0_i32, %c0_i32_0 : i32, i32
  }
  func.func @transform_5(%arg0: i32) -> (i32, i32) {
    %c0_i32 = arith.constant 0 : i32
    %c0_i32_0 = arith.constant 0 : i32
    return %arg0, %c0_i32 : i32, i32
  }
  func.func @transform_6(%arg0: i32) -> (i32, i32) {
    %c0_i32 = arith.constant 0 : i32
    %c0_i32_0 = arith.constant 0 : i32
    %c0_i32_1 = arith.constant 0 : i32
    return %c0_i32, %c0_i32_0 : i32, i32
  }
}

module attributes {stable_mosaic.version = 14 : i64} {
  func.func @_mlp2_body(%arg0: i32, %arg1: memref<1000x256xf32, #tpu.memory_space<vmem>>, %arg2: memref<8x256xf32, #tpu.memory_space<vmem>>, %arg3: memref<1x256xf32, #tpu.memory_space<vmem>>, %arg4: memref<1x256xf32, #tpu.memory_space<vmem>>, %arg5: memref<256x128xf32, #tpu.memory_space<vmem>>, %arg6: memref<1x128xf32, #tpu.memory_space<vmem>>, %arg7: memref<1000x128xf32, #tpu.memory_space<vmem>>) attributes {dimension_semantics = [#tpu.dimension_semantics<arbitrary>], iteration_bounds = array<i64: 10>, scalar_prefetch = 0 : i64, scratch_operands = 0 : i64, tpu.core_type = #tpu.core_type<tc>, window_params = [{transform_indices = @transform_0, window_bounds = array<i64: 1000, 256>}, {pipeline_mode = #tpu.pipeline_mode<synchronous>, transform_indices = @transform_1, window_bounds = array<i64: 8, 256>}, {pipeline_mode = #tpu.pipeline_mode<synchronous>, transform_indices = @transform_2, window_bounds = array<i64: 1, 256>}, {pipeline_mode = #tpu.pipeline_mode<synchronous>, transform_indices = @transform_3, window_bounds = array<i64: 1, 256>}, {pipeline_mode = #tpu.pipeline_mode<synchronous>, transform_indices = @transform_4, window_bounds = array<i64: 256, 128>}, {pipeline_mode = #tpu.pipeline_mode<synchronous>, transform_indices = @transform_5, window_bounds = array<i64: 1, 128>}, {transform_indices = @transform_6, window_bounds = array<i64: 1000, 128>}]} {
    %get3A = arith.constant 0 : index
    %get3A_0 = arith.constant 0 : index
    %get3A_1 = vector.load %arg2[%get3A, %get3A_0] : memref<8x256xf32, #tpu.memory_space<vmem>>, vector<1x256xf32>
    %mul3A = arith.constant 9.99999974E-5 : f32
    %mul3A_2 = vector.broadcast %mul3A : f32 to vector<1x256xf32>
    %mul3A_3 = arith.mulf %get3A_1, %mul3A_2 : vector<1x256xf32>
    %get3A_4 = arith.constant 1 : index
    %get3A_5 = arith.constant 0 : index
    %get3A_6 = vector.load %arg2[%get3A_4, %get3A_5] : memref<8x256xf32, #tpu.memory_space<vmem>>, vector<1x256xf32>
    %mul3A_7 = arith.constant 9.99999974E-5 : f32
    %mul3A_8 = vector.broadcast %mul3A_7 : f32 to vector<1x256xf32>
    %mul3A_9 = arith.mulf %get3A_6, %mul3A_8 : vector<1x256xf32>
    %mul3A_10 = arith.mulf %mul3A_3, %mul3A_3 : vector<1x256xf32>
    %sub3A = arith.subf %mul3A_9, %mul3A_10 : vector<1x256xf32>
    %add3A = arith.constant 9.99999974E-6 : f32
    %add3A_11 = vector.broadcast %add3A : f32 to vector<1x256xf32>
    %add3A_12 = arith.addf %sub3A, %add3A_11 : vector<1x256xf32>
    %rsqrt3A = math.rsqrt %add3A_12 : vector<1x256xf32>
    %get3A_13 = arith.constant 0 : index
    %get3A_14 = arith.constant 0 : index
    %get3A_15 = vector.load %arg3[%get3A_13, %get3A_14] : memref<1x256xf32, #tpu.memory_space<vmem>>, vector<1x256xf32>
    %mul3A_16 = arith.mulf %get3A_15, %rsqrt3A : vector<1x256xf32>
    %get3A_17 = arith.constant 0 : index
    %get3A_18 = arith.constant 0 : index
    %get3A_19 = vector.load %arg4[%get3A_17, %get3A_18] : memref<1x256xf32, #tpu.memory_space<vmem>>, vector<1x256xf32>
    %mul3A_20 = arith.mulf %mul3A_3, %mul3A_16 : vector<1x256xf32>
    %sub3A_21 = arith.subf %get3A_19, %mul3A_20 : vector<1x256xf32>
    %get3A_22 = arith.constant 0 : index
    %get3A_23 = arith.constant 0 : index
    %get3A_24 = vector.load %arg1[%get3A_22, %get3A_23] : memref<1000x256xf32, #tpu.memory_space<vmem>>, vector<1000x256xf32>
    %mul3A_25 = vector.broadcast %mul3A_16 : vector<1x256xf32> to vector<1000x256xf32>
    %mul3A_26 = arith.mulf %get3A_24, %mul3A_25 : vector<1000x256xf32>
    %add3A_27 = vector.broadcast %sub3A_21 : vector<1x256xf32> to vector<1000x256xf32>
    %add3A_28 = arith.addf %mul3A_26, %add3A_27 : vector<1000x256xf32>
    %max3A = arith.constant 0.000000e+00 : f32
    %max3A_29 = vector.broadcast %max3A : f32 to vector<1000x256xf32>
    %max3A_30 = arith.maximumf %add3A_28, %max3A_29 : vector<1000x256xf32>
    %get3A_31 = arith.constant 0 : index
    %get3A_32 = arith.constant 0 : index
    %get3A_33 = vector.load %arg5[%get3A_31, %get3A_32] : memref<256x128xf32, #tpu.memory_space<vmem>>, vector<256x128xf32>
    %dot_general3A = arith.constant dense<0.000000e+00> : vector<1000x128xf32>
    %dot_general3A_34 = tpu.matmul %max3A_30, %get3A_33, %dot_general3A {dimension_numbers = #tpu.dot_dimension_numbers<[1], [0], [0], [1], [0, 0, 1, 1], [], []>, transpose_lhs_hint = false} : vector<1000x256xf32>, vector<256x128xf32>, vector<1000x128xf32> -> vector<1000x128xf32>
    %get3A_35 = arith.constant 0 : index
    %get3A_36 = arith.constant 0 : index
    %get3A_37 = vector.load %arg6[%get3A_35, %get3A_36] : memref<1x128xf32, #tpu.memory_space<vmem>>, vector<1x128xf32>
    %add3A_38 = vector.broadcast %get3A_37 : vector<1x128xf32> to vector<1000x128xf32>
    %add3A_39 = arith.addf %dot_general3A_34, %add3A_38 : vector<1000x128xf32>
    %swap3A = arith.constant 0 : index
    %swap3A_40 = arith.constant 0 : index
    %swap3A_41 = vector.load %arg7[%swap3A, %swap3A_40] : memref<1000x128xf32, #tpu.memory_space<vmem>>, vector<1000x128xf32>
    tpu.vector_store %arg7[%swap3A, %swap3A_40], %add3A_39 {strides = array<i32>} : memref<1000x128xf32, #tpu.memory_space<vmem>>, vector<1000x128xf32>,
    return
  }
  func.func @transform_0(%arg0: i32) -> (i32, i32) {
    %c0_i32 = arith.constant 0 : i32
    %c0_i32_0 = arith.constant 0 : i32
    return %arg0, %c0_i32 : i32, i32
  }
  func.func @transform_1(%arg0: i32) -> (i32, i32) {
    %c0_i32 = arith.constant 0 : i32
    %c0_i32_0 = arith.constant 0 : i32
    %c0_i32_1 = arith.constant 0 : i32
    return %c0_i32, %c0_i32_0 : i32, i32
  }
  func.func @transform_2(%arg0: i32) -> (i32, i32) {
    %c0_i32 = arith.constant 0 : i32
    %c0_i32_0 = arith.constant 0 : i32
    %c0_i32_1 = arith.constant 0 : i32
    return %c0_i32, %c0_i32_0 : i32, i32
  }
  func.func @transform_3(%arg0: i32) -> (i32, i32) {
    %c0_i32 = arith.constant 0 : i32
    %c0_i32_0 = arith.constant 0 : i32
    %c0_i32_1 = arith.constant 0 : i32
    return %c0_i32, %c0_i32_0 : i32, i32
  }
  func.func @transform_4(%arg0: i32) -> (i32, i32) {
    %c0_i32 = arith.constant 0 : i32
    %c0_i32_0 = arith.constant 0 : i32
    %c0_i32_1 = arith.constant 0 : i32
    return %c0_i32, %c0_i32_0 : i32, i32
  }
  func.func @transform_5(%arg0: i32) -> (i32, i32) {
    %c0_i32 = arith.constant 0 : i32
    %c0_i32_0 = arith.constant 0 : i32
    %c0_i32_1 = arith.constant 0 : i32
    return %c0_i32, %c0_i32_0 : i32, i32
  }
  func.func @transform_6(%arg0: i32) -> (i32, i32) {
    %c0_i32 = arith.constant 0 : i32
    %c0_i32_0 = arith.constant 0 : i32
    return %arg0, %c0_i32 : i32, i32
  }
}

</mosaic_0001>

<sc_bundles>
// kernel: kernel.5.cloned.1.call-start
scs
__scs_entry_jumppad:
0x0: {  	(pc) =	sbr.rel $0x88, $3  }
0x1: {  	(tag) =	ssettag $0x0;
	lr =	simm.s32 $0x1  }
0x2: {  	[smem:$0x3F98] =	sst lr;
	_ =	strace $0xD0000000  }
0x3: {  	_ = 	snop  }
0x4: {  	_ = 	snop  }
0x5: {  	_ = 	snop  }
0x6: {  	_ = 	snop  }
0x7: {  	_ = 	snop  }
__scs_overlays_trampoline_lowered:
0x8: {  	[smem:$0x3FA7] =	sst s0  }
0x9: {  	[smem:$0x3FA8] =	sst s1  }
0xa: {  	[smem:$0x3FA9] =	sst s2  }
0xb: {  	[smem:$0x3FAA] =	sst s3  }
0xc: {  	[smem:$0x3FAB] =	sst s4  }
0xd: {  	[smem:$0x3FAC] =	sst s5  }
0xe: {  	[smem:$0x3FAD] =	sst s6  }
0xf: {  	[smem:$0x3FAE] =	sst s7  }
0x10: {  	[smem:$0x3FAF] =	sst s8  }
0x11: {  	[smem:$0x3FB0] =	sst s9;
	s0 =	simm.s32 @!p0 $0x0  }
0x12: {  	s1 =	sld [smem:$0x3F96];
	s0 =	simm.s32 @p0 $0x1  }
0x13: {  	[smem:$0x3FB1] =	sst s0;
	s0 =	simm.s32 @!p1 $0x0  }
0x14: {  	s2 =	sld [smem:$0x3F95];
	s0 =	simm.s32 @p1 $0x1  }
0x15: {  	[smem:$0x3FB2] =	sst s0;
	s0 =	simm.s32 @!p2 $0x0  }
0x16: {  	s3 =	sld [smem:$0x3FDB];
	s0 =	simm.s32 @p2 $0x1  }
0x17: {  	s4 =	simm.s32 $0x1BF5;
	[smem:$0x3FB4] =	sst s0  }
0x18: {  	s0 =	sld [smem:$0x3F97];
	_ =	swait.ge [sflag:s4], $0x0  }
0x19: {  	s7 =	sld [smem:$0x3F98]  }
0x1a: {  	s8 =	sadd.s32 $0xFFFFE003, lr  }
0x1b: {  	s9 =	sadd.s32 $0xFFFFFEF7, lr;
	s5 =	simm.s32 $0xFFFFFFFF;
	p2 =	slt.u32 s8, $0xFFFFF086  }
0x1c: {  	p1 =	slt.u32 s9, $0xF7A;
	s5 =	simm.s32 @!p2 $0x0  }
0x1d: {  	s5 =	simm.s32 @p1 $0x1;
	p0 =	seq.s32 s7, s2  }
0x1e: {  	s7 =	smul.u32 @!p0 $0xF7A, s2;
	p2 =	seq.s32 @!p0 s5, $0x0  }
0x1f: {  	s9 =	smul.u32 $0xF7A, s1;
	s8 =	simm.s32 @!p0 $0x1BF5;
	p2 =	por !p2, p0  }
0x20: {  	[sflag:s8] =	ssyncset.s32 @!p0 $0xFFFFF086;
	s6 =	sadd.s32 @!p0 s3, s7;
	s7 =	simm.s32 @!p0 $0x108  }
0x21: {  	s3 =	sadd.s32 s3, s9;
	s6 =	sadd.s32 @!p0 $0x88, s6;
	s7 =	simm.s32 @p2 $0x1082  }
0x22: {  	[simem:s7], [sflag:s8] =	dma.local @!p0 [hbm:s6], $0xF7A  }
0x23: {  	s9 =	sor.u32 $0xD0000000, s2;
	s6 =	simm.s32 $0x108;
	_ =	swait.ge @!p0 [sflag:s8], $0x0  }
0x24: {  	s3 =	sadd.s32 $0x88, s3;
	s6 =	simm.s32 @!p1 $0x1082;
	[sflag:s4] =	ssyncset.s32 $0xFFFFF086  }
0x25: {  	[simem:s6], [sflag:s4] =	dma.local [hbm:s3], $0xF7A  }
0x26: {  	[smem:$0x3F98] =	sst s1;
	(tag) =	ssettag s2;
	_ =	strace s9  }
0x27: {  	s1 =	sld [smem:$0x3FA8]  }
0x28: {  	s2 =	sld [smem:$0x3FA9]  }
0x29: {  	s4 =	sld [smem:$0x3FAB]  }
0x2a: {  	p0 =	seq.s32 s5, $0x0;
	s5 =	sld [smem:$0x3FAC]  }
0x2b: {  	s6 =	sld [smem:$0x3FAD]  }
0x2c: {  	s7 =	sld [smem:$0x3FAE]  }
0x2d: {  	s3 =	simm.s32 $0x108;
	s8 =	sld [smem:$0x3FAF]  }
0x2e: {  	s3 =	simm.s32 @!p0 $0x1082;
	s9 =	sld [smem:$0x3FB0]  }
0x2f: {  	lr =	sadd.s32 s0, s3;
	s0 =	sld [smem:$0x3FA7]  }
0x30: {  	s3 =	sld [smem:$0x3FAA]  }
0x31: {  	[smem:$0x3FB3] =	sst s10  }
0x32: {  	s10 =	sld [smem:$0x3FB1];
	_ =	sdelay $0x3  }
0x33: {  	p0 =	seq.s32 s10, $0x1;
	s10 =	sld [smem:$0x3FB3];
	_ =	sdelay $0x3  }
0x34: {  	[smem:$0x3FB3] =	sst s10  }
0x35: {  	s10 =	sld [smem:$0x3FB2];
	_ =	sdelay $0x3  }
0x36: {  	p1 =	seq.s32 s10, $0x1;
	s10 =	sld [smem:$0x3FB3];
	_ =	sdelay $0x3  }
0x37: {  	[smem:$0x3FB3] =	sst s10  }
0x38: {  	s10 =	sld [smem:$0x3FB4]  }
0x39: {  	_ = 	snop;
	(pc) =	sbr.ind lr, $3  }
0x3a: {  	_ = 	snop  }
0x3b: {  	_ = 	snop  }
0x3c: {  	p2 =	seq.s32 s10, $0x1;
	s10 =	sld [smem:$0x3FB3]  }
0x3d: {  	_ =	shalt  }
0x3e: {  	_ =	shalt  }
0x3f: {  	_ =	shalt  }
0x40: {  	_ =	shalt  }
0x41: {  	_ =	shalt  }
0x42: {  	_ =	shalt  }
0x43: {  	_ =	shalt  }
0x44: {  	_ =	shalt  }
0x45: {  	_ =	shalt  }
0x46: {  	_ =	shalt  }
0x47: {  	_ =	shalt  }
0x48: {  	_ =	shalt  }
0x49: {  	_ =	shalt  }
0x4a: {  	_ =	shalt  }
0x4b: {  	_ =	shalt  }
0x4c: {  	_ =	shalt  }
0x4d: {  	_ =	shalt  }
0x4e: {  	_ =	shalt  }
0x4f: {  	_ =	shalt  }
0x50: {  	_ =	shalt  }
0x51: {  	_ =	shalt  }
0x52: {  	_ =	shalt  }
0x53: {  	_ =	shalt  }
0x54: {  	_ =	shalt  }
0x55: {  	_ =	shalt  }
0x56: {  	_ =	shalt  }
0x57: {  	_ =	shalt  }
0x58: {  	_ =	shalt  }
0x59: {  	_ =	shalt  }
0x5a: {  	_ =	shalt  }
0x5b: {  	_ =	shalt  }
0x5c: {  	_ =	shalt  }
0x5d: {  	_ =	shalt  }
0x5e: {  	_ =	shalt  }
0x5f: {  	_ =	shalt  }
0x60: {  	_ =	shalt  }
0x61: {  	_ =	shalt  }
0x62: {  	_ =	shalt  }
0x63: {  	_ =	shalt  }
0x64: {  	_ =	shalt  }
0x65: {  	_ =	shalt  }
0x66: {  	_ =	shalt  }
0x67: {  	_ =	shalt  }
0x68: {  	_ =	shalt  }
0x69: {  	_ =	shalt  }
0x6a: {  	_ =	shalt  }
0x6b: {  	_ =	shalt  }
0x6c: {  	_ =	shalt  }
0x6d: {  	_ =	shalt  }
0x6e: {  	_ =	shalt  }
0x6f: {  	_ =	shalt  }
0x70: {  	_ =	shalt  }
0x71: {  	_ =	shalt  }
0x72: {  	_ =	shalt  }
0x73: {  	_ =	shalt  }
0x74: {  	_ =	shalt  }
0x75: {  	_ =	shalt  }
0x76: {  	_ =	shalt  }
0x77: {  	_ =	shalt  }
0x78: {  	_ =	shalt  }
0x79: {  	_ =	shalt  }
0x7a: {  	_ =	shalt  }
0x7b: {  	_ =	shalt  }
0x7c: {  	_ =	shalt  }
0x7d: {  	_ =	shalt  }
0x7e: {  	_ =	shalt  }
0x7f: {  	_ =	shalt  }
0x80: {  	_ =	shalt  }
0x81: {  	_ =	shalt  }
0x82: {  	_ =	shalt  }
0x83: {  	_ =	shalt  }
0x84: {  	_ =	shalt  }
0x85: {  	_ =	shalt  }
0x86: {  	_ =	shalt  }
0x87: {  	_ =	shalt  }
.Lfunc_end0:
.L_simem_size_0:
called_computation_lowered:
.L_overlay_start_0:
0x88: {  	s2 =	sld [smem:$0x3FD9]  }
0x89: {  	s3 =	sld [smem:$0x3FFE];
	_ =	sdelay $0x1  }
0x8a: {  	s1 =	srdreg.scid  }
0x8b: {  	s0 =	sand.u32 $0x1, s1  }
0x8c: {  	s17 =	sshll.u32 s0, $0xA;
	s2 =	sadd.s32 s3, s2  }
0x8d: {  	s2 =	sadd.s32 s2, s17  }
0x8e: {  	[smem:$0x3FBF] =	sst s2  }
0x8f: {  	_ = 	snop  }
0x90: {  	s2 =	sld [smem:$0x3FD0];
	(tm) =	ssettm $0x1  }
0x91: {  	s18 =	sld [smem:$0x3FFB];
	_ =	sdelay $0x3  }
0x92: {  	_ =	strace s18  }
0x93: {  	s3 =	sld [smem:$0x3FFC];
	_ =	sdelay $0x3  }
0x94: {  	_ =	strace s3  }
0x95: {  	s3 =	sld [smem:$0x3FFD];
	_ =	sdelay $0x3  }
0x96: {  	_ =	strace s3  }
0x97: {  	_ =	strace $0x8FFFFFFF  }
0x98: {  	s19 =	sld [smem:$0x3FDB];
	_ =	sdelay $0x1  }
0x99: {  	s4 =	simm.s32 $_scs_section_size  }
0x9a: {  	s5 =	simm.s32 $_size__tile_overlayer_lowered;
	s6 =	simm.s32 $_tile_overlayer_lowered  }
0x9b: {  	s22 =	simm.s32 $0x1BFF;
	s21 =	sshll.u32 s6, $0x1;
	s3 =	sadd.s32 s4, s19  }
0x9c: {  	s7 =	simm.s32 $0x0;
	s20 =	sshll.u32 s5, $0x1;
	s5 =	sadd.s32 s21, s3  }
0x9d: {  	[timem:s7], [sflag:s22] =	dma.local [hbm:s5], s20  }
0x9e: {  	_ =	swait.ge [sflag:s22], s20  }
0x9f: {  	s4 =	ssub.s32 $0x0, s20;
	[sflag:s22] =	ssyncset.done $0x0  }
0xa0: {  	[sflag:s22] =	ssyncadd.s32 s4;
	_ =	sdelay $0x1  }
0xa1: {  	s23 =	simm.s32 $0x1B8B  }
0xa2: {  	_ =	swait.ge [sflag:s23], $0x1  }
0xa3: {  	[sflag:s23] =	ssyncset.done $0x0  }
0xa4: {  	s25 =	simm.s32 $0x1B8E;
	s24 =	sld [smem:$0x3FFE];
	[sflag:s23] =	ssyncadd.s32 $0xFFFFFFFF  }
0xa5: {  	s26 =	simm.s32 $execute0_lowered;
	[smem:$0x3FD2] =	sst s25  }
0xa6: {  	s5 =	sshll.u32 s26, $0x1;
	_ =	strace $0x80000046;
	[dreg:$0x1] =	wrdreg $0xFFFFFFFF  }
0xa7: {  	s28 =	simm.s32 $_size_execute0_lowered;
	s3 =	sadd.s32 s3, s5;
	[dreg:$0x0] =	wrdreg $0x0  }
0xa8: {  	s5 =	sshll.u32 s28, $0x1;
	[dreg:$0x2] =	wrdreg s3  }
0xa9: {  	[dreg:$0x3] =	wrdreg s5  }
0xaa: {  	[dreg:$0x4] =	wrdreg $0xC0  }
0xab: {  	_ =	task [dreg:s7], $0x5FFFF  }
0xac: {  	[dreg:$0x1] =	wrdreg $0xFFFFFFFF  }
0xad: {  	[dreg:$0x0] =	wrdreg $0x60  }
0xae: {  	[dreg:$0x2] =	wrdreg s24  }
0xaf: {  	[dreg:$0x3] =	wrdreg s2  }
0xb0: {  	[dreg:$0x4] =	wrdreg $0x90000  }
0xb1: {  	[dreg:$0x5] =	wrdreg $0x9  }
0xb2: {  	_ =	task.clear_ibuf [dreg:s7], $0x6FFFF;
	_ =	strace $0x90000046  }
0xb3: {  	s29 =	simm.s32 $0x9;
	_ =	strace $0x80000048  }
0xb4: {  	_ =	swait.ge [sflag:s29], $0x1  }
0xb5: {  	[sflag:s29] =	ssyncadd.s32 $0xFFFFFFFF  }
0xb6: {  	_ =	strace $0x90000048  }
0xb7: {  	_ =	sfence  }
0xb8: {  	s30 =	sld [smem:$0x0];
	_ =	sdelay $0x2  }
0xb9: {  	s31 =	sshll.u32 s1, $0xD;
	s1 =	sshrl.u32 s1, $0x2  }
0xba: {  	s3 =	sand.u32 $0x4000, s31;
	s1 =	sadd.s32 s1, s30  }
0xbb: {  	s0 =	sor.u32 s3, s0;
	s1 =	sshll.u32 s1, $0x11  }
0xbc: {  	s0 =	sor.u32 s1, s0  }
0xbd: {  	s0 =	sadd.s32 $0x8F2B, s0  }
0xbe: {  	[sflag:s0] =	ssyncadd.remote.s32 $0x1  }
0xbf: {  	_ =	sfence.sel $0xFFFF  }
0xc0: {  	[dreg:$0x0] =	wrdreg $0xFFFFFFFF;
	(pc) =	sbr.abs _section_cstart, $3  }
0xc1: {  	[dreg:$0x1] =	wrdreg $0xFFFFFFFF  }
0xc2: {  	_ =	task.clear_ibuf [dreg:s7], $0x2FFFF;
	_ =	strace $0x9FFFFFFF  }
0xc3: {  	(tm) =	ssettm $0x7FFFFFFF  }
tec
execute0_lowered:
.L_overlay_start_1:
0x0: {  	(tag) =	ssettag $0x1  }
0x1: {  	s6 =	rddreg [dreg:$0x0]  }
0x2: {  	s7 =	rddreg [dreg:$0x1]  }
0x3: {  	s0 =	srdreg.scid;
	s2 =	rddreg [dreg:$0x2]  }
0x4: {  	s3 =	simm.s32 $0x0;
	s14 =	simm.s32 $0x80;
	s15 =	simm.s32 $0x5000  }
0x5: {  	s16 =	simm.s32 $0x1;
	s5 =	sand.u32 $0x1, s0;
	s0 =	stileid.u32  }
0x6: {  	s17 =	simm.s32 $0x0;
	[smem:$0x7FF] =	sst s3;
	s9 =	smul.u32 $0x140000, s5  }
0x7: {  	s4 =	sadd.s32 $0xB200, s6;
	s1 =	sshll.u32 s5, $0x4;
	s10 =	smul.u32 $0x14000, s0  }
0x8: {  	s29 =	ssub.s32 $0x2, s5;
	s13 =	smul.u32 $0x50000, s0;
	s5 =	sadd.s32 $0x32400, s6  }
0x9: {  	s31 =	sshll.u32 s0, $0x6;
	s1 =	sor.u32 s0, s1;
	s12 =	sshrl.u32 s29, $0x1  }
0xa: {  	s8 =	smul.u32 $0x500, s1;
	s1 =	rddreg [dreg:$0x3];
	_ =	strace $0x80000047  }
0xb: {  	s9 =	sadd.s32 s10, s9;
	s10 =	ssub.s32 s29, s12;
	s30 =	sshrl.u32 s13, $0x2  }
0xc: {  	s12 =	sor.u32 $0x1C02, s31;
	s9 =	sshrl.u32 s9, $0x3;
	s13 =	sadd.s32 s30, s2  }
0xd: {  	s11 =	sadd.s32 s8, s6;
	s9 =	sadd.s32 s9, s6;
	s6 =	sadd.s32 s7, s8  }
0xe: {  	s13 =	sshrl.u32 s13, $0x3;
	s7 =	sadd.s32 $0x1200, s11;
	s8 =	sadd.s32 $0x34C00, s9  }
0xf: {  	s9 =	smax.u32 s10, $0x1;
	s10 =	simm.s32 $0x2;
	s11 =	simm.s32 $0x2800  }
.LBB2_1:
0x10: {  	[tilespmem:s3], [sflag:$0x2] =	stream.linear.gather [hbm4b:s6+s3], $0x2780, $0x38;
	[tilespmem:$0x1D000] =	vst v63  }
0x11: {  	_ =	swait.ge [sflag:s10], $0x2780  }
0x12: {  	[sflag:s10] =	ssyncset.done $0x0  }
0x13: {  	[sflag:s10] =	ssyncadd.s32 $0xFFFFD880  }
0x14: {  	[tilespmem:s11], [sflag:$0x2] =	stream.linear.gather [hbm4b:s7+s3], $0x2780, $0x38;
	[tilespmem:$0x1D000] =	vst v63  }
0x15: {  	_ =	swait.ge [sflag:s10], $0x2780  }
0x16: {  	[sflag:s10] =	ssyncset.done $0x0  }
0x17: {  	[sflag:s10] =	ssyncadd.s32 $0xFFFFD880  }
0x18: {  	[spmem:s13], [sflag:s12] =	dma.local [hbm:s5], $0x2800  }
0x19: {  	_ =	swait.ge [sflag:s10], $0x2800  }
0x1a: {  	[sflag:s10] =	ssyncset.done $0x0  }
0x1b: {  	[sflag:s10] =	ssyncadd.s32 $0xFFFFD800  }
0x1c: {  	s18 =	simm.s32 $0x0;
	[bflag:$0x0] =	sbarrier.arrive $0xFFFF  }
0x1d: {  	[tilespmem:s15], [sflag:$0x1] =	stream.indirect.gather [hbm4b:s4+s14], $0x80, s18, s14, $0xb8;
	[tilespmem:$0x1D000] =	vst v63  }
0x1e: {  	_ =	swait.ge [sflag:s16], $0x4000  }
0x1f: {  	[sflag:s16] =	ssyncset.done $0x0  }
0x20: {  	s31 =	simm.s32 $0x2800;
	[sflag:s16] =	ssyncadd.s32 $0xFFFFC000  }
0x21: {  	[spmem:s2] =	stream.indirect.scatter.add.f32 [tilespmem:s15], [sflag:$0x2], $0x80, s31, s14, $0xb8;
	[tilespmem:$0x1D000] =	vst v63  }
0x22: {  	_ =	swait.ge [sflag:s10], $0x4000  }
0x23: {  	s19 =	simm.s32 $0x400;
	s18 =	simm.s32 $0x200;
	[sflag:s10] =	ssyncset.done $0x0  }
.LBB2_2:
0x24: {  	s20 =	sshra.s32 s18, $0x2  }
0x25: {  	[sflag:s10] =	ssyncadd.s32 $0xFFFFC000;
	s18 =	smov.u32 s19;
	s21 =	sadd.s32 $0x200, s19  }
0x26: {  	[tilespmem:s15], [sflag:$0x1] =	stream.indirect.gather [hbm4b:s4+s14], $0x80, s20, s14, $0xb8;
	[tilespmem:$0x1D000] =	vst v63  }
0x27: {  	p0 =	sne.s32 s19, $0x9C00;
	_ =	swait.ge [sflag:s16], $0x4000  }
.Ltmp0:
0x28: {  	[sflag:s16] =	ssyncset.done $0x0;
	(pc) =	sbr.rel @p0 .LBB2_2-.Ltmp0, $4  }
0x29: {  	s19 =	sadd.s32 $0x2800, s20;
	[sflag:s16] =	ssyncadd.s32 $0xFFFFC000  }
0x2a: {  	[spmem:s2] =	stream.indirect.scatter.add.f32 [tilespmem:s15], [sflag:$0x2], $0x80, s19, s14, $0xb8;
	[tilespmem:$0x1D000] =	vst v63  }
0x2b: {  	_ =	swait.ge [sflag:s10], $0x4000  }
0x2c: {  	s19 =	smov.u32 s21;
	[sflag:s10] =	ssyncset.done $0x0  }
0x2d: {  	s18 =	sshra.s32 s18, $0x2;
	[sflag:s10] =	ssyncadd.s32 $0xFFFFC000  }
0x2e: {  	[tilespmem:s15], [sflag:$0x1] =	stream.indirect.gather [hbm4b:s4+s14], $0x80, s18, s14, $0xb8;
	[tilespmem:$0x1D000] =	vst v63  }
0x2f: {  	_ =	swait.ge [sflag:s16], $0x4000  }
0x30: {  	[sflag:s16] =	ssyncset.done $0x0  }
0x31: {  	s18 =	sadd.s32 $0x2800, s18;
	[sflag:s16] =	ssyncadd.s32 $0xFFFFC000  }
0x32: {  	[spmem:s2] =	stream.indirect.scatter.add.f32 [tilespmem:s15], [sflag:$0x2], $0x80, s18, s14, $0xb8;
	[tilespmem:$0x1D000] =	vst v63  }
0x33: {  	_ =	swait.ge [sflag:s10], $0x4000  }
0x34: {  	s17 =	sadd.s32 $0x1, s17;
	[sflag:s10] =	ssyncset.done $0x0  }
0x35: {  	p0 =	sne.s32 s17, s9;
	[sflag:s10] =	ssyncadd.s32 $0xFFFFC000  }
.Ltmp1:
0x36: {  	[bflag:$0x0] =	sbarrier.arrive $0xFFFF;
	(pc) =	sbr.rel @p0 .LBB2_1-.Ltmp1, $4  }
0x37: {  	[hbm:s8], [sflag:s12] =	dma.local [spmem:s13], $0x2800  }
0x38: {  	_ =	swait.ge [sflag:s10], $0x2800  }
0x39: {  	[sflag:s10] =	ssyncset.done $0x0  }
0x3a: {  	[sflag:s10] =	ssyncadd.s32 $0xFFFFD800  }
0x3b: {  	_ =	sfence.sel $0x180000  }
0x3c: {  	[bflag:$0x0] =	sbarrier.arrive $0xFFFF  }
0x3d: {  	p0 =	sne.s32 s0, $0x0;
	_ =	strace $0x90000047  }
0x3e: {  	s0 =	sadd.s32 @!p0 $0x100000, s1;
	[bflag:$0x2] =	sbarrier.arrive $0xFFFF  }
0x3f: {  	[sflag:s0] =	ssyncadd.tile.s32 @!p0 $0x1;
	_ =	shalt  }
.Lfunc_end2:
_tile_overlayer_lowered:
.L_overlay_start_2:
0x40: {  	(tag) =	ssettag $0x2  }
0x41: {  	s0 =	rddreg [dreg:$0x0];
	s2 =	stileid.u32  }
0x42: {  	s1 =	rddreg [dreg:$0x1];
	p0 =	sne.s32 s2, $0x0  }
0x43: {  	s3 =	rddreg [dreg:$0x2];
	[bflag:$0x3] =	sbarrier.arrive $0xFFFF;
	s2 =	simm.s32 @!p0 $0x1C02  }
0x44: {  	[timem:s3], [sflag:s2] =	dma.local @!p0 [hbm:s0], s1  }
0x45: {  	s0 =	simm.s32 @!p0 $0x2  }
0x46: {  	_ =	swait.ge @!p0 [sflag:s0], s1  }
0x47: {  	s1 =	ssub.s32 @!p0 $0x0, s1;
	[sflag:s0] =	ssyncset.done @!p0 $0x0  }
0x48: {  	[sflag:s0] =	ssyncadd.s32 @!p0 s1  }
0x49: {  	[bflag:$0x3] =	sbarrier.arrive $0xFFFF  }
0x4a: {  	_ =	shalt  }

</sc_bundles>
